<compile_context>
chip_gen: v7x
topology: tpu7x:2x2x1
jax: 0.10.2.dev20260603
libtpu: 0.0.44.dev20260713+nightly
codegen_flags: <defaults>
</compile_context>

<pallas_src>
import functools

import jax
import jax.numpy as jnp
from jax import lax
from jax.experimental import pallas as pl
from jax.experimental.pallas import tpu as pltpu
from jax.experimental.pallas import tpu_sc as plsc

_Q = 0.7
_K = 0.5

_B = 16384
_C = 1000
_BLKB = 2048
_NB = _B // _BLKB

_NW = 16
_BPW = _B // _NW
_CHUNK = 128
_NCH = _BPW // _CHUNK

_C1 = 1.0 / _Q - (1.0 - _K ** _Q) / _Q


def _gather_weights_sc(weight_flat, indexes):
    mesh = plsc.VectorSubcoreMesh(
        core_axis_name="c", subcore_axis_name="s", num_cores=1
    )

    @functools.partial(
        pl.kernel,
        mesh=mesh,
        out_type=jax.ShapeDtypeStruct((_B,), jnp.float32),
        scratch_types=[
            pltpu.VMEM((_BPW,), jnp.int32),
            pltpu.VMEM((_BPW,), jnp.float32),
            pltpu.SemaphoreType.DMA,
        ],
    )
    def gather_kernel(table_hbm, idx_hbm, out_hbm, idx_v, rows_v, sem):
        wid = lax.axis_index("s") + lax.axis_index("c")
        base = wid * _BPW
        pltpu.sync_copy(idx_hbm.at[pl.ds(base, _BPW)], idx_v)
        copies = [
            pltpu.async_copy(
                table_hbm.at[idx_v.at[pl.ds(j * _CHUNK, _CHUNK)]],
                rows_v.at[pl.ds(j * _CHUNK, _CHUNK)],
                sem,
            )
            for j in range(_NCH)
        ]
        for c in copies:
            c.wait()
        pltpu.sync_copy(rows_v, out_hbm.at[pl.ds(base, _BPW)])

    return gather_kernel(weight_flat, indexes)


def _ygq_body(lt_ref, targets_ref, ygq_ref):
    l = lt_ref[...]
    t = targets_ref[...]
    row = lax.broadcasted_iota(jnp.int32, (_C, _BLKB), 0)
    m = jnp.max(l, axis=0, keepdims=True)
    e = jnp.exp(l - m)
    s = jnp.sum(e, axis=0, keepdims=True)
    lt = jnp.sum(jnp.where(row == t, l, 0.0), axis=0, keepdims=True)
    yg = jnp.exp(lt - m) / s
    ygq_ref[...] = jnp.exp(_Q * jnp.log(yg))


def _combine_body(ygq_ref, w_ref, out_ref):
    out_ref[...] = jnp.sum(
        (_C1 - ygq_ref[...] * (1.0 / _Q)) * w_ref[...],
        keepdims=True,
    ) * (1.0 / _B)


def kernel(logits, targets, indexes, weight):
    ygq = pl.pallas_call(
        _ygq_body,
        grid=(_NB,),
        in_specs=[
            pl.BlockSpec((_C, _BLKB), lambda i: (0, i)),
            pl.BlockSpec((1, _BLKB), lambda i: (0, i)),
        ],
        out_specs=pl.BlockSpec((1, _BLKB), lambda i: (0, i)),
        out_shape=jax.ShapeDtypeStruct((1, _B), jnp.float32),
    )(logits.T, targets.astype(jnp.int32).reshape(1, _B))
    w = _gather_weights_sc(weight.reshape(-1), indexes.astype(jnp.int32))
    out = pl.pallas_call(
        _combine_body,
        in_specs=[
            pl.BlockSpec((1, _B), lambda: (0, 0)),
            pl.BlockSpec((1, _B), lambda: (0, 0)),
        ],
        out_specs=pl.BlockSpec((1, 1), lambda: (0, 0)),
        out_shape=jax.ShapeDtypeStruct((1, 1), jnp.float32),
    )(ygq, w.reshape(1, _B))
    return out[0, 0]

# --- scband reference (transcript-rebuilt; emitter-appended) ---
"""Pipeline reference for scband-truncated-loss-12275016532371 (READ-ONLY COPY).

The authoritative reference and input builder live on the scoring server;
editing this copy changes nothing except your own understanding.
"""

import jax, jax.numpy as jnp
import numpy as np

Q = 0.7
K = 0.5
TRAINSET_SIZE = 1000000


def setup_inputs(seed: int = 0) -> dict:
    key = jax.random.key(seed)
    k1, k2, k3 = jax.random.split(key, 3)
    logits = jax.random.normal(k1, (16384, 1000), dtype=jnp.float32)
    targets = jax.random.randint(k2, (16384,), 0, 1000, dtype=jnp.int64 if jax.config.jax_enable_x64 else jnp.int32)
    indexes = jax.random.randint(k3, (16384,), 0, TRAINSET_SIZE, dtype=jnp.int64 if jax.config.jax_enable_x64 else jnp.int32)
    weight = jnp.ones((TRAINSET_SIZE, 1), dtype=jnp.float32)
    return {"logits": logits, "targets": targets, "indexes": indexes, "weight": weight}


def reference(logits, targets, indexes, weight):
    # p = softmax(logits, dim=1)
    p = jax.nn.softmax(logits, axis=1)
    # Yg = gather(p, 1, targets.unsqueeze(1))
    Yg = jnp.take_along_axis(p, targets[:, None], axis=1)
    # w[indexes] -> [B, 1]
    w = jnp.take(weight, indexes, axis=0)
    loss = (1.0 - Yg ** Q) / Q * w - (1.0 - K ** Q) / Q * w
    return jnp.mean(loss)

if __name__ == "__main__":
    import jax
    _d = setup_inputs()
    print(jax.jit(kernel)(*tuple(_d.values())))

</pallas_src>

<mosaic_0001>
#map = affine_map<(d0, d1) -> (0)>
module attributes {stable_mosaic.version = 14 : i64} {
  func.func @gather_kernel(%arg0: i32, %arg1: i32, %arg2: memref<1000000xf32, #tpu.memory_space<hbm>>, %arg3: memref<16384xi32, #tpu.memory_space<hbm>>, %arg4: memref<16384xf32, #tpu.memory_space<hbm>>, %arg5: memref<1024xi32, #tpu.memory_space<vmem>>, %arg6: memref<1024xf32, #tpu.memory_space<vmem>>, %arg7: memref<!tpu.dma_semaphore, #tpu.memory_space<semaphore_mem>>) attributes {dimension_semantics = [#tpu.dimension_semantics<core_parallel>, #tpu.dimension_semantics<subcore_parallel>], iteration_bounds = array<i64: 1, 16>, scalar_prefetch = 0 : i64, scratch_operands = 3 : i64, tpu.core_type = #tpu.core_type<sc_vector_subcore>, window_params = [{transform_indices = #map}, {transform_indices = #map}, {transform_indices = #map}]} {
    %add3A = arith.addi %arg1, %arg0 : i32
    %mul3A = arith.constant 1024 : i32
    %mul3A_0 = arith.muli %add3A, %mul3A : i32
    "tpu.region"() ({
      %run_scoped3A = tpu.sem_alloc : memref<!tpu.dma_semaphore, #tpu.memory_space<semaphore_mem>>
      %dma_start3A_95 = tpu.memref_slice %arg3[%mul3A_0] : memref<16384xi32, #tpu.memory_space<hbm>> -> memref<1024xi32, #tpu.memory_space<hbm>>
      %dma_start3A_96 = tpu.memref_slice %arg3[%mul3A_0] : memref<16384xi32, #tpu.memory_space<hbm>> -> memref<1024xi32, #tpu.memory_space<hbm>>
      tpu.enqueue_dma source(%dma_start3A_96 : memref<1024xi32, #tpu.memory_space<hbm>>) target(%arg5 : memref<1024xi32, #tpu.memory_space<vmem>>) target_semaphore(%run_scoped3A : memref<!tpu.dma_semaphore, #tpu.memory_space<semaphore_mem>>)
      %dma_wait3A_97 = tpu.memref_slice %arg3[%mul3A_0] : memref<16384xi32, #tpu.memory_space<hbm>> -> memref<1024xi32, #tpu.memory_space<hbm>>
      %dma_wait3A_98 = tpu.memref_slice %arg3[%mul3A_0] : memref<16384xi32, #tpu.memory_space<hbm>> -> memref<1024xi32, #tpu.memory_space<hbm>>
      tpu.wait_dma2 semaphore(%run_scoped3A : memref<!tpu.dma_semaphore, #tpu.memory_space<semaphore_mem>>) src(%dma_wait3A_98 : memref<1024xi32, #tpu.memory_space<hbm>>) dst(%arg5 : memref<1024xi32, #tpu.memory_space<vmem>>)
      tpu.yield
    }) : () -> ()
    %dma_start3A = arith.constant 0 : i32
    %dma_start3A_1 = tpu.memref_slice %arg6[%dma_start3A] : memref<1024xf32, #tpu.memory_space<vmem>> -> memref<128xf32, #tpu.memory_space<vmem>>
    %dma_start3A_2 = arith.constant 0 : i32
    %dma_start3A_3 = tpu.memref_slice %arg5[%dma_start3A_2] : memref<1024xi32, #tpu.memory_space<vmem>> -> memref<128xi32, #tpu.memory_space<vmem>>
    %dma_start3A_4 = arith.constant 0 : i32
    %dma_start3A_5 = tpu.memref_slice %arg2[%dma_start3A_4] : memref<1000000xf32, #tpu.memory_space<hbm>> -> memref<1000000xf32, #tpu.memory_space<hbm>>
    tpu.enqueue_indirect_dma source(%dma_start3A_5 : memref<1000000xf32, #tpu.memory_space<hbm>>) target(%dma_start3A_1 : memref<128xf32, #tpu.memory_space<vmem>>) offsets(%dma_start3A_3 : memref<128xi32, #tpu.memory_space<vmem>>) semaphore(%arg7 : memref<!tpu.dma_semaphore, #tpu.memory_space<semaphore_mem>>)
    %dma_start3A_6 = arith.constant 128 : i32
    %dma_start3A_7 = tpu.memref_slice %arg6[%dma_start3A_6] : memref<1024xf32, #tpu.memory_space<vmem>> -> memref<128xf32, #tpu.memory_space<vmem>>
    %dma_start3A_8 = arith.constant 128 : i32
    %dma_start3A_9 = tpu.memref_slice %arg5[%dma_start3A_8] : memref<1024xi32, #tpu.memory_space<vmem>> -> memref<128xi32, #tpu.memory_space<vmem>>
    %dma_start3A_10 = arith.constant 0 : i32
    %dma_start3A_11 = tpu.memref_slice %arg2[%dma_start3A_10] : memref<1000000xf32, #tpu.memory_space<hbm>> -> memref<1000000xf32, #tpu.memory_space<hbm>>
    tpu.enqueue_indirect_dma source(%dma_start3A_11 : memref<1000000xf32, #tpu.memory_space<hbm>>) target(%dma_start3A_7 : memref<128xf32, #tpu.memory_space<vmem>>) offsets(%dma_start3A_9 : memref<128xi32, #tpu.memory_space<vmem>>) semaphore(%arg7 : memref<!tpu.dma_semaphore, #tpu.memory_space<semaphore_mem>>)
    %dma_start3A_12 = arith.constant 256 : i32
    %dma_start3A_13 = tpu.memref_slice %arg6[%dma_start3A_12] : memref<1024xf32, #tpu.memory_space<vmem>> -> memref<128xf32, #tpu.memory_space<vmem>>
    %dma_start3A_14 = arith.constant 256 : i32
    %dma_start3A_15 = tpu.memref_slice %arg5[%dma_start3A_14] : memref<1024xi32, #tpu.memory_space<vmem>> -> memref<128xi32, #tpu.memory_space<vmem>>
    %dma_start3A_16 = arith.constant 0 : i32
    %dma_start3A_17 = tpu.memref_slice %arg2[%dma_start3A_16] : memref<1000000xf32, #tpu.memory_space<hbm>> -> memref<1000000xf32, #tpu.memory_space<hbm>>
    tpu.enqueue_indirect_dma source(%dma_start3A_17 : memref<1000000xf32, #tpu.memory_space<hbm>>) target(%dma_start3A_13 : memref<128xf32, #tpu.memory_space<vmem>>) offsets(%dma_start3A_15 : memref<128xi32, #tpu.memory_space<vmem>>) semaphore(%arg7 : memref<!tpu.dma_semaphore, #tpu.memory_space<semaphore_mem>>)
    %dma_start3A_18 = arith.constant 384 : i32
    %dma_start3A_19 = tpu.memref_slice %arg6[%dma_start3A_18] : memref<1024xf32, #tpu.memory_space<vmem>> -> memref<128xf32, #tpu.memory_space<vmem>>
    %dma_start3A_20 = arith.constant 384 : i32
    %dma_start3A_21 = tpu.memref_slice %arg5[%dma_start3A_20] : memref<1024xi32, #tpu.memory_space<vmem>> -> memref<128xi32, #tpu.memory_space<vmem>>
    %dma_start3A_22 = arith.constant 0 : i32
    %dma_start3A_23 = tpu.memref_slice %arg2[%dma_start3A_22] : memref<1000000xf32, #tpu.memory_space<hbm>> -> memref<1000000xf32, #tpu.memory_space<hbm>>
    tpu.enqueue_indirect_dma source(%dma_start3A_23 : memref<1000000xf32, #tpu.memory_space<hbm>>) target(%dma_start3A_19 : memref<128xf32, #tpu.memory_space<vmem>>) offsets(%dma_start3A_21 : memref<128xi32, #tpu.memory_space<vmem>>) semaphore(%arg7 : memref<!tpu.dma_semaphore, #tpu.memory_space<semaphore_mem>>)
    %dma_start3A_24 = arith.constant 512 : i32
    %dma_start3A_25 = tpu.memref_slice %arg6[%dma_start3A_24] : memref<1024xf32, #tpu.memory_space<vmem>> -> memref<128xf32, #tpu.memory_space<vmem>>
    %dma_start3A_26 = arith.constant 512 : i32
    %dma_start3A_27 = tpu.memref_slice %arg5[%dma_start3A_26] : memref<1024xi32, #tpu.memory_space<vmem>> -> memref<128xi32, #tpu.memory_space<vmem>>
    %dma_start3A_28 = arith.constant 0 : i32
    %dma_start3A_29 = tpu.memref_slice %arg2[%dma_start3A_28] : memref<1000000xf32, #tpu.memory_space<hbm>> -> memref<1000000xf32, #tpu.memory_space<hbm>>
    tpu.enqueue_indirect_dma source(%dma_start3A_29 : memref<1000000xf32, #tpu.memory_space<hbm>>) target(%dma_start3A_25 : memref<128xf32, #tpu.memory_space<vmem>>) offsets(%dma_start3A_27 : memref<128xi32, #tpu.memory_space<vmem>>) semaphore(%arg7 : memref<!tpu.dma_semaphore, #tpu.memory_space<semaphore_mem>>)
    %dma_start3A_30 = arith.constant 640 : i32
    %dma_start3A_31 = tpu.memref_slice %arg6[%dma_start3A_30] : memref<1024xf32, #tpu.memory_space<vmem>> -> memref<128xf32, #tpu.memory_space<vmem>>
    %dma_start3A_32 = arith.constant 640 : i32
    %dma_start3A_33 = tpu.memref_slice %arg5[%dma_start3A_32] : memref<1024xi32, #tpu.memory_space<vmem>> -> memref<128xi32, #tpu.memory_space<vmem>>
    %dma_start3A_34 = arith.constant 0 : i32
    %dma_start3A_35 = tpu.memref_slice %arg2[%dma_start3A_34] : memref<1000000xf32, #tpu.memory_space<hbm>> -> memref<1000000xf32, #tpu.memory_space<hbm>>
    tpu.enqueue_indirect_dma source(%dma_start3A_35 : memref<1000000xf32, #tpu.memory_space<hbm>>) target(%dma_start3A_31 : memref<128xf32, #tpu.memory_space<vmem>>) offsets(%dma_start3A_33 : memref<128xi32, #tpu.memory_space<vmem>>) semaphore(%arg7 : memref<!tpu.dma_semaphore, #tpu.memory_space<semaphore_mem>>)
    %dma_start3A_36 = arith.constant 768 : i32
    %dma_start3A_37 = tpu.memref_slice %arg6[%dma_start3A_36] : memref<1024xf32, #tpu.memory_space<vmem>> -> memref<128xf32, #tpu.memory_space<vmem>>
    %dma_start3A_38 = arith.constant 768 : i32
    %dma_start3A_39 = tpu.memref_slice %arg5[%dma_start3A_38] : memref<1024xi32, #tpu.memory_space<vmem>> -> memref<128xi32, #tpu.memory_space<vmem>>
    %dma_start3A_40 = arith.constant 0 : i32
    %dma_start3A_41 = tpu.memref_slice %arg2[%dma_start3A_40] : memref<1000000xf32, #tpu.memory_space<hbm>> -> memref<1000000xf32, #tpu.memory_space<hbm>>
    tpu.enqueue_indirect_dma source(%dma_start3A_41 : memref<1000000xf32, #tpu.memory_space<hbm>>) target(%dma_start3A_37 : memref<128xf32, #tpu.memory_space<vmem>>) offsets(%dma_start3A_39 : memref<128xi32, #tpu.memory_space<vmem>>) semaphore(%arg7 : memref<!tpu.dma_semaphore, #tpu.memory_space<semaphore_mem>>)
    %dma_start3A_42 = arith.constant 896 : i32
    %dma_start3A_43 = tpu.memref_slice %arg6[%dma_start3A_42] : memref<1024xf32, #tpu.memory_space<vmem>> -> memref<128xf32, #tpu.memory_space<vmem>>
    %dma_start3A_44 = arith.constant 896 : i32
    %dma_start3A_45 = tpu.memref_slice %arg5[%dma_start3A_44] : memref<1024xi32, #tpu.memory_space<vmem>> -> memref<128xi32, #tpu.memory_space<vmem>>
    %dma_start3A_46 = arith.constant 0 : i32
    %dma_start3A_47 = tpu.memref_slice %arg2[%dma_start3A_46] : memref<1000000xf32, #tpu.memory_space<hbm>> -> memref<1000000xf32, #tpu.memory_space<hbm>>
    tpu.enqueue_indirect_dma source(%dma_start3A_47 : memref<1000000xf32, #tpu.memory_space<hbm>>) target(%dma_start3A_43 : memref<128xf32, #tpu.memory_space<vmem>>) offsets(%dma_start3A_45 : memref<128xi32, #tpu.memory_space<vmem>>) semaphore(%arg7 : memref<!tpu.dma_semaphore, #tpu.memory_space<semaphore_mem>>)
    %dma_wait3A = arith.constant 0 : i32
    %dma_wait3A_48 = tpu.memref_slice %arg6[%dma_wait3A] : memref<1024xf32, #tpu.memory_space<vmem>> -> memref<128xf32, #tpu.memory_space<vmem>>
    %dma_wait3A_49 = arith.constant 0 : i32
    %dma_wait3A_50 = tpu.memref_slice %arg5[%dma_wait3A_49] : memref<1024xi32, #tpu.memory_space<vmem>> -> memref<128xi32, #tpu.memory_space<vmem>>
    %dma_wait3A_51 = arith.constant 0 : i32
    %dma_wait3A_52 = tpu.memref_slice %arg2[%dma_wait3A_51] : memref<1000000xf32, #tpu.memory_space<hbm>> -> memref<1000000xf32, #tpu.memory_space<hbm>>
    tpu.wait_indirect_dma semaphore(%arg7 : memref<!tpu.dma_semaphore, #tpu.memory_space<semaphore_mem>>) src(%dma_wait3A_52 : memref<1000000xf32, #tpu.memory_space<hbm>>) dst(%dma_wait3A_48 : memref<128xf32, #tpu.memory_space<vmem>>)
    %dma_wait3A_53 = arith.constant 128 : i32
    %dma_wait3A_54 = tpu.memref_slice %arg6[%dma_wait3A_53] : memref<1024xf32, #tpu.memory_space<vmem>> -> memref<128xf32, #tpu.memory_space<vmem>>
    %dma_wait3A_55 = arith.constant 128 : i32
    %dma_wait3A_56 = tpu.memref_slice %arg5[%dma_wait3A_55] : memref<1024xi32, #tpu.memory_space<vmem>> -> memref<128xi32, #tpu.memory_space<vmem>>
    %dma_wait3A_57 = arith.constant 0 : i32
    %dma_wait3A_58 = tpu.memref_slice %arg2[%dma_wait3A_57] : memref<1000000xf32, #tpu.memory_space<hbm>> -> memref<1000000xf32, #tpu.memory_space<hbm>>
    tpu.wait_indirect_dma semaphore(%arg7 : memref<!tpu.dma_semaphore, #tpu.memory_space<semaphore_mem>>) src(%dma_wait3A_58 : memref<1000000xf32, #tpu.memory_space<hbm>>) dst(%dma_wait3A_54 : memref<128xf32, #tpu.memory_space<vmem>>)
    %dma_wait3A_59 = arith.constant 256 : i32
    %dma_wait3A_60 = tpu.memref_slice %arg6[%dma_wait3A_59] : memref<1024xf32, #tpu.memory_space<vmem>> -> memref<128xf32, #tpu.memory_space<vmem>>
    %dma_wait3A_61 = arith.constant 256 : i32
    %dma_wait3A_62 = tpu.memref_slice %arg5[%dma_wait3A_61] : memref<1024xi32, #tpu.memory_space<vmem>> -> memref<128xi32, #tpu.memory_space<vmem>>
    %dma_wait3A_63 = arith.constant 0 : i32
    %dma_wait3A_64 = tpu.memref_slice %arg2[%dma_wait3A_63] : memref<1000000xf32, #tpu.memory_space<hbm>> -> memref<1000000xf32, #tpu.memory_space<hbm>>
    tpu.wait_indirect_dma semaphore(%arg7 : memref<!tpu.dma_semaphore, #tpu.memory_space<semaphore_mem>>) src(%dma_wait3A_64 : memref<1000000xf32, #tpu.memory_space<hbm>>) dst(%dma_wait3A_60 : memref<128xf32, #tpu.memory_space<vmem>>)
    %dma_wait3A_65 = arith.constant 384 : i32
    %dma_wait3A_66 = tpu.memref_slice %arg6[%dma_wait3A_65] : memref<1024xf32, #tpu.memory_space<vmem>> -> memref<128xf32, #tpu.memory_space<vmem>>
    %dma_wait3A_67 = arith.constant 384 : i32
    %dma_wait3A_68 = tpu.memref_slice %arg5[%dma_wait3A_67] : memref<1024xi32, #tpu.memory_space<vmem>> -> memref<128xi32, #tpu.memory_space<vmem>>
    %dma_wait3A_69 = arith.constant 0 : i32
    %dma_wait3A_70 = tpu.memref_slice %arg2[%dma_wait3A_69] : memref<1000000xf32, #tpu.memory_space<hbm>> -> memref<1000000xf32, #tpu.memory_space<hbm>>
    tpu.wait_indirect_dma semaphore(%arg7 : memref<!tpu.dma_semaphore, #tpu.memory_space<semaphore_mem>>) src(%dma_wait3A_70 : memref<1000000xf32, #tpu.memory_space<hbm>>) dst(%dma_wait3A_66 : memref<128xf32, #tpu.memory_space<vmem>>)
    %dma_wait3A_71 = arith.constant 512 : i32
    %dma_wait3A_72 = tpu.memref_slice %arg6[%dma_wait3A_71] : memref<1024xf32, #tpu.memory_space<vmem>> -> memref<128xf32, #tpu.memory_space<vmem>>
    %dma_wait3A_73 = arith.constant 512 : i32
    %dma_wait3A_74 = tpu.memref_slice %arg5[%dma_wait3A_73] : memref<1024xi32, #tpu.memory_space<vmem>> -> memref<128xi32, #tpu.memory_space<vmem>>
    %dma_wait3A_75 = arith.constant 0 : i32
    %dma_wait3A_76 = tpu.memref_slice %arg2[%dma_wait3A_75] : memref<1000000xf32, #tpu.memory_space<hbm>> -> memref<1000000xf32, #tpu.memory_space<hbm>>
    tpu.wait_indirect_dma semaphore(%arg7 : memref<!tpu.dma_semaphore, #tpu.memory_space<semaphore_mem>>) src(%dma_wait3A_76 : memref<1000000xf32, #tpu.memory_space<hbm>>) dst(%dma_wait3A_72 : memref<128xf32, #tpu.memory_space<vmem>>)
    %dma_wait3A_77 = arith.constant 640 : i32
    %dma_wait3A_78 = tpu.memref_slice %arg6[%dma_wait3A_77] : memref<1024xf32, #tpu.memory_space<vmem>> -> memref<128xf32, #tpu.memory_space<vmem>>
    %dma_wait3A_79 = arith.constant 640 : i32
    %dma_wait3A_80 = tpu.memref_slice %arg5[%dma_wait3A_79] : memref<1024xi32, #tpu.memory_space<vmem>> -> memref<128xi32, #tpu.memory_space<vmem>>
    %dma_wait3A_81 = arith.constant 0 : i32
    %dma_wait3A_82 = tpu.memref_slice %arg2[%dma_wait3A_81] : memref<1000000xf32, #tpu.memory_space<hbm>> -> memref<1000000xf32, #tpu.memory_space<hbm>>
    tpu.wait_indirect_dma semaphore(%arg7 : memref<!tpu.dma_semaphore, #tpu.memory_space<semaphore_mem>>) src(%dma_wait3A_82 : memref<1000000xf32, #tpu.memory_space<hbm>>) dst(%dma_wait3A_78 : memref<128xf32, #tpu.memory_space<vmem>>)
    %dma_wait3A_83 = arith.constant 768 : i32
    %dma_wait3A_84 = tpu.memref_slice %arg6[%dma_wait3A_83] : memref<1024xf32, #tpu.memory_space<vmem>> -> memref<128xf32, #tpu.memory_space<vmem>>
    %dma_wait3A_85 = arith.constant 768 : i32
    %dma_wait3A_86 = tpu.memref_slice %arg5[%dma_wait3A_85] : memref<1024xi32, #tpu.memory_space<vmem>> -> memref<128xi32, #tpu.memory_space<vmem>>
    %dma_wait3A_87 = arith.constant 0 : i32
    %dma_wait3A_88 = tpu.memref_slice %arg2[%dma_wait3A_87] : memref<1000000xf32, #tpu.memory_space<hbm>> -> memref<1000000xf32, #tpu.memory_space<hbm>>
    tpu.wait_indirect_dma semaphore(%arg7 : memref<!tpu.dma_semaphore, #tpu.memory_space<semaphore_mem>>) src(%dma_wait3A_88 : memref<1000000xf32, #tpu.memory_space<hbm>>) dst(%dma_wait3A_84 : memref<128xf32, #tpu.memory_space<vmem>>)
    %dma_wait3A_89 = arith.constant 896 : i32
    %dma_wait3A_90 = tpu.memref_slice %arg6[%dma_wait3A_89] : memref<1024xf32, #tpu.memory_space<vmem>> -> memref<128xf32, #tpu.memory_space<vmem>>
    %dma_wait3A_91 = arith.constant 896 : i32
    %dma_wait3A_92 = tpu.memref_slice %arg5[%dma_wait3A_91] : memref<1024xi32, #tpu.memory_space<vmem>> -> memref<128xi32, #tpu.memory_space<vmem>>
    %dma_wait3A_93 = arith.constant 0 : i32
    %dma_wait3A_94 = tpu.memref_slice %arg2[%dma_wait3A_93] : memref<1000000xf32, #tpu.memory_space<hbm>> -> memref<1000000xf32, #tpu.memory_space<hbm>>
    tpu.wait_indirect_dma semaphore(%arg7 : memref<!tpu.dma_semaphore, #tpu.memory_space<semaphore_mem>>) src(%dma_wait3A_94 : memref<1000000xf32, #tpu.memory_space<hbm>>) dst(%dma_wait3A_90 : memref<128xf32, #tpu.memory_space<vmem>>)
    "tpu.region"() ({
      %run_scoped3A = tpu.sem_alloc : memref<!tpu.dma_semaphore, #tpu.memory_space<semaphore_mem>>
      %dma_start3A_95 = tpu.memref_slice %arg4[%mul3A_0] : memref<16384xf32, #tpu.memory_space<hbm>> -> memref<1024xf32, #tpu.memory_space<hbm>>
      %dma_start3A_96 = tpu.memref_slice %arg4[%mul3A_0] : memref<16384xf32, #tpu.memory_space<hbm>> -> memref<1024xf32, #tpu.memory_space<hbm>>
      tpu.enqueue_dma source(%arg6 : memref<1024xf32, #tpu.memory_space<vmem>>) target(%dma_start3A_96 : memref<1024xf32, #tpu.memory_space<hbm>>) target_semaphore(%run_scoped3A : memref<!tpu.dma_semaphore, #tpu.memory_space<semaphore_mem>>)
      %dma_wait3A_97 = tpu.memref_slice %arg4[%mul3A_0] : memref<16384xf32, #tpu.memory_space<hbm>> -> memref<1024xf32, #tpu.memory_space<hbm>>
      %dma_wait3A_98 = tpu.memref_slice %arg4[%mul3A_0] : memref<16384xf32, #tpu.memory_space<hbm>> -> memref<1024xf32, #tpu.memory_space<hbm>>
      tpu.wait_dma2 semaphore(%run_scoped3A : memref<!tpu.dma_semaphore, #tpu.memory_space<semaphore_mem>>) src(%arg6 : memref<1024xf32, #tpu.memory_space<vmem>>) dst(%dma_wait3A_98 : memref<1024xf32, #tpu.memory_space<hbm>>)
      tpu.yield
    }) : () -> ()
    return
  }
}

module attributes {stable_mosaic.version = 14 : i64} {
  func.func @_ygq_body(%arg0: i32, %arg1: memref<1000x2048xf32, #tpu.memory_space<vmem>>, %arg2: memref<1x2048xi32, #tpu.memory_space<vmem>>, %arg3: memref<1x2048xf32, #tpu.memory_space<vmem>>) attributes {dimension_semantics = [#tpu.dimension_semantics<arbitrary>], iteration_bounds = array<i64: 8>, scalar_prefetch = 0 : i64, scratch_operands = 0 : i64, tpu.core_type = #tpu.core_type<tc>, window_params = [{transform_indices = @transform_0, window_bounds = array<i64: 1000, 2048>}, {transform_indices = @transform_1, window_bounds = array<i64: 1, 2048>}, {transform_indices = @transform_2, window_bounds = array<i64: 1, 2048>}]} {
    %get3A = arith.constant 0 : index
    %get3A_0 = arith.constant 0 : index
    %get3A_1 = vector.load %arg1[%get3A, %get3A_0] : memref<1000x2048xf32, #tpu.memory_space<vmem>>, vector<1000x2048xf32>
    %get3A_2 = arith.constant 0 : index
    %get3A_3 = arith.constant 0 : index
    %get3A_4 = vector.load %arg2[%get3A_2, %get3A_3] : memref<1x2048xi32, #tpu.memory_space<vmem>>, vector<1x2048xi32>
    %iota3A = tpu.iota {dimensions = array<i32: 0>} : vector<1000x2048xi32>
    %reduce_max3A = arith.constant dense<0xFF800000> : vector<2048xf32>
    %reduce_max3A_5 = vector.multi_reduction <maximumf>, %get3A_1, %reduce_max3A [0] : vector<1000x2048xf32> to vector<2048xf32>
    %broadcast_in_dim3A = vector.shape_cast %reduce_max3A_5 : vector<2048xf32> to vector<1x2048xf32>
    %sub3A = vector.broadcast %broadcast_in_dim3A : vector<1x2048xf32> to vector<1000x2048xf32>
    %sub3A_6 = arith.subf %get3A_1, %sub3A : vector<1000x2048xf32>
    %exp3A = math.exp %sub3A_6 : vector<1000x2048xf32>
    %reduce_sum3A = arith.constant dense<0.000000e+00> : vector<2048xf32>
    %reduce_sum3A_7 = vector.multi_reduction <add>, %exp3A, %reduce_sum3A [0] : vector<1000x2048xf32> to vector<2048xf32>
    %broadcast_in_dim3A_8 = vector.shape_cast %reduce_sum3A_7 : vector<2048xf32> to vector<1x2048xf32>
    %eq3A = vector.broadcast %get3A_4 : vector<1x2048xi32> to vector<1000x2048xi32>
    %eq3A_9 = arith.cmpi eq, %iota3A, %eq3A : vector<1000x2048xi32>
    %jit3A = arith.constant 0.000000e+00 : f32
    %broadcast_in_dim3A_10 = vector.broadcast %jit3A : f32 to vector<1000x2048xf32>
    %select_n3A = arith.select %eq3A_9, %get3A_1, %broadcast_in_dim3A_10 : vector<1000x2048xi1>, vector<1000x2048xf32>
    %reduce_sum3A_11 = arith.constant dense<0.000000e+00> : vector<2048xf32>
    %reduce_sum3A_12 = vector.multi_reduction <add>, %select_n3A, %reduce_sum3A_11 [0] : vector<1000x2048xf32> to vector<2048xf32>
    %broadcast_in_dim3A_13 = vector.shape_cast %reduce_sum3A_12 : vector<2048xf32> to vector<1x2048xf32>
    %sub3A_14 = arith.subf %broadcast_in_dim3A_13, %broadcast_in_dim3A : vector<1x2048xf32>
    %exp3A_15 = math.exp %sub3A_14 : vector<1x2048xf32>
    %div3A = arith.divf %exp3A_15, %broadcast_in_dim3A_8 : vector<1x2048xf32>
    %log3A = math.log %div3A : vector<1x2048xf32>
    %mul3A = arith.constant 0.699999988 : f32
    %mul3A_16 = vector.broadcast %mul3A : f32 to vector<1x2048xf32>
    %mul3A_17 = arith.mulf %mul3A_16, %log3A : vector<1x2048xf32>
    %exp3A_18 = math.exp %mul3A_17 : vector<1x2048xf32>
    %swap3A = arith.constant 0 : index
    %swap3A_19 = arith.constant 0 : index
    %swap3A_20 = vector.load %arg3[%swap3A, %swap3A_19] : memref<1x2048xf32, #tpu.memory_space<vmem>>, vector<1x2048xf32>
    tpu.vector_store %arg3[%swap3A, %swap3A_19], %exp3A_18 {strides = array<i32>} : memref<1x2048xf32, #tpu.memory_space<vmem>>, vector<1x2048xf32>,
    return
  }
  func.func @transform_0(%arg0: i32) -> (i32, i32) {
    %c0_i32 = arith.constant 0 : i32
    %c0_i32_0 = arith.constant 0 : i32
    return %c0_i32, %arg0 : i32, i32
  }
  func.func @transform_1(%arg0: i32) -> (i32, i32) {
    %c0_i32 = arith.constant 0 : i32
    %c0_i32_0 = arith.constant 0 : i32
    return %c0_i32, %arg0 : i32, i32
  }
  func.func @transform_2(%arg0: i32) -> (i32, i32) {
    %c0_i32 = arith.constant 0 : i32
    %c0_i32_0 = arith.constant 0 : i32
    return %c0_i32, %arg0 : i32, i32
  }
}

module attributes {stable_mosaic.version = 14 : i64} {
  func.func @_combine_body(%arg0: memref<1x16384xf32, #tpu.memory_space<vmem>>, %arg1: memref<1x16384xf32, #tpu.memory_space<vmem>>, %arg2: memref<1x1xf32, #tpu.memory_space<vmem>>) attributes {dimension_semantics = [], scalar_prefetch = 0 : i64, scratch_operands = 0 : i64, tpu.core_type = #tpu.core_type<tc>} {
    %get3A = arith.constant 0 : index
    %get3A_0 = arith.constant 0 : index
    %get3A_1 = vector.load %arg0[%get3A, %get3A_0] : memref<1x16384xf32, #tpu.memory_space<vmem>>, vector<1x16384xf32>
    %mul3A = arith.constant 1.42857146 : f32
    %mul3A_2 = vector.broadcast %mul3A : f32 to vector<1x16384xf32>
    %mul3A_3 = arith.mulf %get3A_1, %mul3A_2 : vector<1x16384xf32>
    %sub3A = arith.constant 0.879388868 : f32
    %sub3A_4 = vector.broadcast %sub3A : f32 to vector<1x16384xf32>
    %sub3A_5 = arith.subf %sub3A_4, %mul3A_3 : vector<1x16384xf32>
    %get3A_6 = arith.constant 0 : index
    %get3A_7 = arith.constant 0 : index
    %get3A_8 = vector.load %arg1[%get3A_6, %get3A_7] : memref<1x16384xf32, #tpu.memory_space<vmem>>, vector<1x16384xf32>
    %mul3A_9 = arith.mulf %sub3A_5, %get3A_8 : vector<1x16384xf32>
    %reduce_sum3A = vector.shape_cast %mul3A_9 : vector<1x16384xf32> to vector<1x1x16384xf32>
    %reduce_sum3A_10 = arith.constant dense<0.000000e+00> : vector<1xf32>
    %reduce_sum3A_11 = vector.multi_reduction <add>, %reduce_sum3A, %reduce_sum3A_10 [1, 2] : vector<1x1x16384xf32> to vector<1xf32>
    %reduce_sum3A_12 = vector.shape_cast %reduce_sum3A_11 : vector<1xf32> to vector<1x1x1xf32>
    %reduce_sum3A_13 = vector.extract %reduce_sum3A_12[0, 0, 0] : f32 from vector<1x1x1xf32>
    %broadcast_in_dim3A = vector.broadcast %reduce_sum3A_13 : f32 to vector<1x1xf32>
    %mul3A_14 = arith.constant 6.10351563E-5 : f32
    %mul3A_15 = vector.broadcast %mul3A_14 : f32 to vector<1x1xf32>
    %mul3A_16 = arith.mulf %broadcast_in_dim3A, %mul3A_15 : vector<1x1xf32>
    %swap3A = arith.constant 0 : index
    %swap3A_17 = arith.constant 0 : index
    %swap3A_18 = vector.load %arg2[%swap3A, %swap3A_17] : memref<1x1xf32, #tpu.memory_space<vmem>>, vector<1x1xf32>
    tpu.vector_store %arg2[%swap3A, %swap3A_17], %mul3A_16 {strides = array<i32>} : memref<1x1xf32, #tpu.memory_space<vmem>>, vector<1x1xf32>,
    return
  }
}

</mosaic_0001>

<sc_bundles>
// kernel: kernel.5.cloned.1.call-start
scs
__scs_entry_jumppad:
0x0: {  	(pc) =	sbr.rel $0x88, $3  }
0x1: {  	(tag) =	ssettag $0x0;
	lr =	simm.s32 $0x1  }
0x2: {  	[smem:$0x3F9D] =	sst lr;
	_ =	strace $0xD0000000  }
0x3: {  	_ = 	snop  }
0x4: {  	_ = 	snop  }
0x5: {  	_ = 	snop  }
0x6: {  	_ = 	snop  }
0x7: {  	_ = 	snop  }
__scs_overlays_trampoline_lowered:
0x8: {  	[smem:$0x3FAC] =	sst s0  }
0x9: {  	[smem:$0x3FAD] =	sst s1  }
0xa: {  	[smem:$0x3FAE] =	sst s2  }
0xb: {  	[smem:$0x3FAF] =	sst s3  }
0xc: {  	[smem:$0x3FB0] =	sst s4  }
0xd: {  	[smem:$0x3FB1] =	sst s5  }
0xe: {  	[smem:$0x3FB2] =	sst s6  }
0xf: {  	[smem:$0x3FB3] =	sst s7  }
0x10: {  	[smem:$0x3FB4] =	sst s8  }
0x11: {  	[smem:$0x3FB5] =	sst s9;
	s0 =	simm.s32 @!p0 $0x0  }
0x12: {  	s1 =	sld [smem:$0x3F9B];
	s0 =	simm.s32 @p0 $0x1  }
0x13: {  	[smem:$0x3FB6] =	sst s0;
	s0 =	simm.s32 @!p1 $0x0  }
0x14: {  	s2 =	sld [smem:$0x3F9A];
	s0 =	simm.s32 @p1 $0x1  }
0x15: {  	[smem:$0x3FB7] =	sst s0;
	s0 =	simm.s32 @!p2 $0x0  }
0x16: {  	s3 =	sld [smem:$0x3FDB];
	s0 =	simm.s32 @p2 $0x1  }
0x17: {  	s4 =	simm.s32 $0x1BF5;
	[smem:$0x3FB9] =	sst s0  }
0x18: {  	s0 =	sld [smem:$0x3F9C];
	_ =	swait.ge [sflag:s4], $0x0  }
0x19: {  	s7 =	sld [smem:$0x3F9D]  }
0x1a: {  	s8 =	sadd.s32 $0xFFFFE003, lr  }
0x1b: {  	s9 =	sadd.s32 $0xFFFFFEF7, lr;
	s5 =	simm.s32 $0xFFFFFFFF;
	p2 =	slt.u32 s8, $0xFFFFF086  }
0x1c: {  	p1 =	slt.u32 s9, $0xF7A;
	s5 =	simm.s32 @!p2 $0x0  }
0x1d: {  	s5 =	simm.s32 @p1 $0x1;
	p0 =	seq.s32 s7, s2  }
0x1e: {  	s7 =	smul.u32 @!p0 $0xF7A, s2;
	p2 =	seq.s32 @!p0 s5, $0x0  }
0x1f: {  	s9 =	smul.u32 $0xF7A, s1;
	s8 =	simm.s32 @!p0 $0x1BF5;
	p2 =	por !p2, p0  }
0x20: {  	[sflag:s8] =	ssyncset.s32 @!p0 $0xFFFFF086;
	s6 =	sadd.s32 @!p0 s3, s7;
	s7 =	simm.s32 @!p0 $0x108  }
0x21: {  	s3 =	sadd.s32 s3, s9;
	s6 =	sadd.s32 @!p0 $0x88, s6;
	s7 =	simm.s32 @p2 $0x1082  }
0x22: {  	[simem:s7], [sflag:s8] =	dma.local @!p0 [hbm:s6], $0xF7A  }
0x23: {  	s9 =	sor.u32 $0xD0000000, s2;
	s6 =	simm.s32 $0x108;
	_ =	swait.ge @!p0 [sflag:s8], $0x0  }
0x24: {  	s3 =	sadd.s32 $0x88, s3;
	s6 =	simm.s32 @!p1 $0x1082;
	[sflag:s4] =	ssyncset.s32 $0xFFFFF086  }
0x25: {  	[simem:s6], [sflag:s4] =	dma.local [hbm:s3], $0xF7A  }
0x26: {  	[smem:$0x3F9D] =	sst s1;
	(tag) =	ssettag s2;
	_ =	strace s9  }
0x27: {  	s1 =	sld [smem:$0x3FAD]  }
0x28: {  	s2 =	sld [smem:$0x3FAE]  }
0x29: {  	s4 =	sld [smem:$0x3FB0]  }
0x2a: {  	p0 =	seq.s32 s5, $0x0;
	s5 =	sld [smem:$0x3FB1]  }
0x2b: {  	s6 =	sld [smem:$0x3FB2]  }
0x2c: {  	s7 =	sld [smem:$0x3FB3]  }
0x2d: {  	s3 =	simm.s32 $0x108;
	s8 =	sld [smem:$0x3FB4]  }
0x2e: {  	s3 =	simm.s32 @!p0 $0x1082;
	s9 =	sld [smem:$0x3FB5]  }
0x2f: {  	lr =	sadd.s32 s0, s3;
	s0 =	sld [smem:$0x3FAC]  }
0x30: {  	s3 =	sld [smem:$0x3FAF]  }
0x31: {  	[smem:$0x3FB8] =	sst s10  }
0x32: {  	s10 =	sld [smem:$0x3FB6];
	_ =	sdelay $0x3  }
0x33: {  	p0 =	seq.s32 s10, $0x1;
	s10 =	sld [smem:$0x3FB8];
	_ =	sdelay $0x3  }
0x34: {  	[smem:$0x3FB8] =	sst s10  }
0x35: {  	s10 =	sld [smem:$0x3FB7];
	_ =	sdelay $0x3  }
0x36: {  	p1 =	seq.s32 s10, $0x1;
	s10 =	sld [smem:$0x3FB8];
	_ =	sdelay $0x3  }
0x37: {  	[smem:$0x3FB8] =	sst s10  }
0x38: {  	s10 =	sld [smem:$0x3FB9]  }
0x39: {  	_ = 	snop;
	(pc) =	sbr.ind lr, $3  }
0x3a: {  	_ = 	snop  }
0x3b: {  	_ = 	snop  }
0x3c: {  	p2 =	seq.s32 s10, $0x1;
	s10 =	sld [smem:$0x3FB8]  }
0x3d: {  	_ =	shalt  }
0x3e: {  	_ =	shalt  }
0x3f: {  	_ =	shalt  }
0x40: {  	_ =	shalt  }
0x41: {  	_ =	shalt  }
0x42: {  	_ =	shalt  }
0x43: {  	_ =	shalt  }
0x44: {  	_ =	shalt  }
0x45: {  	_ =	shalt  }
0x46: {  	_ =	shalt  }
0x47: {  	_ =	shalt  }
0x48: {  	_ =	shalt  }
0x49: {  	_ =	shalt  }
0x4a: {  	_ =	shalt  }
0x4b: {  	_ =	shalt  }
0x4c: {  	_ =	shalt  }
0x4d: {  	_ =	shalt  }
0x4e: {  	_ =	shalt  }
0x4f: {  	_ =	shalt  }
0x50: {  	_ =	shalt  }
0x51: {  	_ =	shalt  }
0x52: {  	_ =	shalt  }
0x53: {  	_ =	shalt  }
0x54: {  	_ =	shalt  }
0x55: {  	_ =	shalt  }
0x56: {  	_ =	shalt  }
0x57: {  	_ =	shalt  }
0x58: {  	_ =	shalt  }
0x59: {  	_ =	shalt  }
0x5a: {  	_ =	shalt  }
0x5b: {  	_ =	shalt  }
0x5c: {  	_ =	shalt  }
0x5d: {  	_ =	shalt  }
0x5e: {  	_ =	shalt  }
0x5f: {  	_ =	shalt  }
0x60: {  	_ =	shalt  }
0x61: {  	_ =	shalt  }
0x62: {  	_ =	shalt  }
0x63: {  	_ =	shalt  }
0x64: {  	_ =	shalt  }
0x65: {  	_ =	shalt  }
0x66: {  	_ =	shalt  }
0x67: {  	_ =	shalt  }
0x68: {  	_ =	shalt  }
0x69: {  	_ =	shalt  }
0x6a: {  	_ =	shalt  }
0x6b: {  	_ =	shalt  }
0x6c: {  	_ =	shalt  }
0x6d: {  	_ =	shalt  }
0x6e: {  	_ =	shalt  }
0x6f: {  	_ =	shalt  }
0x70: {  	_ =	shalt  }
0x71: {  	_ =	shalt  }
0x72: {  	_ =	shalt  }
0x73: {  	_ =	shalt  }
0x74: {  	_ =	shalt  }
0x75: {  	_ =	shalt  }
0x76: {  	_ =	shalt  }
0x77: {  	_ =	shalt  }
0x78: {  	_ =	shalt  }
0x79: {  	_ =	shalt  }
0x7a: {  	_ =	shalt  }
0x7b: {  	_ =	shalt  }
0x7c: {  	_ =	shalt  }
0x7d: {  	_ =	shalt  }
0x7e: {  	_ =	shalt  }
0x7f: {  	_ =	shalt  }
0x80: {  	_ =	shalt  }
0x81: {  	_ =	shalt  }
0x82: {  	_ =	shalt  }
0x83: {  	_ =	shalt  }
0x84: {  	_ =	shalt  }
0x85: {  	_ =	shalt  }
0x86: {  	_ =	shalt  }
0x87: {  	_ =	shalt  }
.Lfunc_end0:
.L_simem_size_0:
called_computation_lowered:
.L_overlay_start_0:
0x88: {  	s0 =	sld [smem:$0x3FD9]  }
0x89: {  	s1 =	sld [smem:$0x3FFE];
	_ =	sdelay $0x3  }
0x8a: {  	s0 =	sadd.s32 s1, s0  }
0x8b: {  	[smem:$0x3FC4] =	sst s0  }
0x8c: {  	_ = 	snop  }
0x8d: {  	s0 =	sld [smem:$0x3FC7];
	(tm) =	ssettm $0x1  }
0x8e: {  	s16 =	sld [smem:$0x3FFB];
	_ =	sdelay $0x3  }
0x8f: {  	_ =	strace s16  }
0x90: {  	s1 =	sld [smem:$0x3FFC];
	_ =	sdelay $0x3  }
0x91: {  	_ =	strace s1  }
0x92: {  	s1 =	sld [smem:$0x3FFD];
	_ =	sdelay $0x3  }
0x93: {  	_ =	strace s1  }
0x94: {  	_ =	strace $0x8FFFFFFF  }
0x95: {  	s17 =	sld [smem:$0x3FDB];
	_ =	sdelay $0x1  }
0x96: {  	s2 =	simm.s32 $_scs_section_size  }
0x97: {  	s3 =	simm.s32 $_size__tile_overlayer_lowered;
	s4 =	simm.s32 $_tile_overlayer_lowered  }
0x98: {  	s20 =	simm.s32 $0x1BFF;
	s19 =	sshll.u32 s4, $0x1;
	s1 =	sadd.s32 s2, s17  }
0x99: {  	s5 =	simm.s32 $0x0;
	s18 =	sshll.u32 s3, $0x1;
	s3 =	sadd.s32 s19, s1  }
0x9a: {  	[timem:s5], [sflag:s20] =	dma.local [hbm:s3], s18  }
0x9b: {  	_ =	swait.ge [sflag:s20], s18  }
0x9c: {  	s2 =	ssub.s32 $0x0, s18;
	[sflag:s20] =	ssyncset.done $0x0  }
0x9d: {  	[sflag:s20] =	ssyncadd.s32 s2;
	_ =	sdelay $0x1  }
0x9e: {  	s21 =	simm.s32 $0x1B8B  }
0x9f: {  	_ =	swait.ge [sflag:s21], $0x1  }
0xa0: {  	[sflag:s21] =	ssyncset.done $0x0  }
0xa1: {  	s23 =	simm.s32 $0x1B8E;
	s22 =	sld [smem:$0x3FFE];
	[sflag:s21] =	ssyncadd.s32 $0xFFFFFFFF  }
0xa2: {  	s24 =	simm.s32 $execute0_lowered;
	[smem:$0x3FD2] =	sst s23  }
0xa3: {  	s3 =	sshll.u32 s24, $0x1;
	_ =	strace $0x80000046;
	[dreg:$0x1] =	wrdreg $0xFFFFFFFF  }
0xa4: {  	s25 =	simm.s32 $_size_execute0_lowered;
	s1 =	sadd.s32 s1, s3;
	[dreg:$0x0] =	wrdreg $0x0  }
0xa5: {  	s3 =	sshll.u32 s25, $0x1;
	[dreg:$0x2] =	wrdreg s1  }
0xa6: {  	[dreg:$0x3] =	wrdreg s3  }
0xa7: {  	[dreg:$0x4] =	wrdreg $0xC0  }
0xa8: {  	_ =	task [dreg:s5], $0x5FFFF  }
0xa9: {  	[dreg:$0x1] =	wrdreg $0xFFFFFFFF  }
0xaa: {  	[dreg:$0x0] =	wrdreg $0x60  }
0xab: {  	[dreg:$0x2] =	wrdreg s22  }
0xac: {  	[dreg:$0x3] =	wrdreg s0  }
0xad: {  	[dreg:$0x4] =	wrdreg $0x9  }
0xae: {  	_ =	task.clear_ibuf [dreg:s5], $0x5FFFF;
	_ =	strace $0x90000046  }
0xaf: {  	s26 =	simm.s32 $0x9;
	_ =	strace $0x80000048  }
0xb0: {  	_ =	swait.ge [sflag:s26], $0x1  }
0xb1: {  	[sflag:s26] =	ssyncadd.s32 $0xFFFFFFFF  }
0xb2: {  	_ =	strace $0x90000048  }
0xb3: {  	_ =	sfence  }
0xb4: {  	s28 =	sld [smem:$0x0];
	_ =	sdelay $0x1  }
0xb5: {  	s29 =	srdreg.scid  }
0xb6: {  	s30 =	sshll.u32 s29, $0xD;
	s31 =	sshrl.u32 s29, $0x2  }
0xb7: {  	s2 =	sand.u32 $0x4000, s30;
	s1 =	sand.u32 $0x1, s29;
	s0 =	sadd.s32 s31, s28  }
0xb8: {  	s1 =	sor.u32 s2, s1;
	s0 =	sshll.u32 s0, $0x11  }
0xb9: {  	s0 =	sor.u32 s0, s1  }
0xba: {  	s0 =	sadd.s32 $0x8F2B, s0  }
0xbb: {  	[sflag:s0] =	ssyncadd.remote.s32 $0x1  }
0xbc: {  	_ =	sfence.sel $0xFFFF  }
0xbd: {  	[dreg:$0x0] =	wrdreg $0xFFFFFFFF;
	(pc) =	sbr.abs _section_cstart, $3  }
0xbe: {  	[dreg:$0x1] =	wrdreg $0xFFFFFFFF  }
0xbf: {  	_ =	task.clear_ibuf [dreg:s5], $0x2FFFF;
	_ =	strace $0x9FFFFFFF  }
0xc0: {  	(tm) =	ssettm $0x7FFFFFFF  }
0xc1: {  	_ =	shalt  }
tec
execute0_lowered:
.L_overlay_start_1:
0x0: {  	(tag) =	ssettag $0x1  }
0x1: {  	s2 =	rddreg [dreg:$0x0]  }
0x2: {  	s3 =	rddreg [dreg:$0x1]  }
0x3: {  	s0 =	rddreg [dreg:$0x2];
	s4 =	simm.s32 $0x0;
	s1 =	stileid.u32  }
0x4: {  	[smem:$0x7FF] =	sst s4;
	s5 =	sshll.u32 s1, $0x7  }
0x5: {  	s18 =	simm.s32 $0x2;
	_ =	strace $0x80000047;
	s3 =	sadd.s32 s3, s5  }
0x6: {  	[tilespmem:s4], [sflag:$0x2] =	stream.linear.gather [hbm4b:s3+s4], $0x400, $0x38;
	[tilespmem:$0x800] =	vst v63  }
0x7: {  	_ =	swait.ge [sflag:s18], $0x400  }
0x8: {  	s7 =	simm.s32 $0x80;
	[sflag:s18] =	ssyncset.done $0x0  }
0x9: {  	s8 =	simm.s32 $0x400;
	s6 =	sadd.s32 $0x400, s2;
	[sflag:s18] =	ssyncadd.s32 $0xFFFFFC00  }
0xa: {  	[tilespmem:s8], [sflag:$0x1] =	stream.indirect.gather [hbm4b:s6+s7], $0x1, s4, s7, $0xb8;
	[tilespmem:$0x800] =	vst v63  }
0xb: {  	s9 =	simm.s32 $0x480  }
0xc: {  	[tilespmem:s9], [sflag:$0x1] =	stream.indirect.gather [hbm4b:s6+s7], $0x1, s7, s7, $0xb8;
	[tilespmem:$0x800] =	vst v63  }
0xd: {  	s19 =	simm.s32 $0x100;
	s10 =	simm.s32 $0x500  }
0xe: {  	[tilespmem:s10], [sflag:$0x1] =	stream.indirect.gather [hbm4b:s6+s7], $0x1, s19, s7, $0xb8;
	[tilespmem:$0x800] =	vst v63  }
0xf: {  	s20 =	simm.s32 $0x180;
	s21 =	simm.s32 $0x580  }
0x10: {  	[tilespmem:s21], [sflag:$0x1] =	stream.indirect.gather [hbm4b:s6+s7], $0x1, s20, s7, $0xb8;
	[tilespmem:$0x800] =	vst v63  }
0x11: {  	s22 =	simm.s32 $0x200;
	s23 =	simm.s32 $0x600  }
0x12: {  	[tilespmem:s23], [sflag:$0x1] =	stream.indirect.gather [hbm4b:s6+s7], $0x1, s22, s7, $0xb8;
	[tilespmem:$0x800] =	vst v63  }
0x13: {  	s24 =	simm.s32 $0x280;
	s25 =	simm.s32 $0x680  }
0x14: {  	[tilespmem:s25], [sflag:$0x1] =	stream.indirect.gather [hbm4b:s6+s7], $0x1, s24, s7, $0xb8;
	[tilespmem:$0x800] =	vst v63  }
0x15: {  	s26 =	simm.s32 $0x300;
	s28 =	simm.s32 $0x700  }
0x16: {  	[tilespmem:s28], [sflag:$0x1] =	stream.indirect.gather [hbm4b:s6+s7], $0x1, s26, s7, $0xb8;
	[tilespmem:$0x800] =	vst v63  }
0x17: {  	s29 =	simm.s32 $0x380;
	s30 =	simm.s32 $0x780;
	s31 =	simm.s32 $0x1  }
0x18: {  	[tilespmem:s30], [sflag:$0x1] =	stream.indirect.gather [hbm4b:s6+s7], $0x1, s29, s7, $0xb8;
	[tilespmem:$0x800] =	vst v63  }
0x19: {  	_ =	swait.ge [sflag:s31], $0x80  }
0x1a: {  	[sflag:s31] =	ssyncset.done $0x0  }
0x1b: {  	[sflag:s31] =	ssyncadd.s32 $0xFFFFFF80  }
0x1c: {  	_ =	swait.ge [sflag:s31], $0x80  }
0x1d: {  	[sflag:s31] =	ssyncset.done $0x0  }
0x1e: {  	[sflag:s31] =	ssyncadd.s32 $0xFFFFFF80  }
0x1f: {  	_ =	swait.ge [sflag:s31], $0x80  }
0x20: {  	[sflag:s31] =	ssyncset.done $0x0  }
0x21: {  	[sflag:s31] =	ssyncadd.s32 $0xFFFFFF80  }
0x22: {  	_ =	swait.ge [sflag:s31], $0x80  }
0x23: {  	[sflag:s31] =	ssyncset.done $0x0  }
0x24: {  	[sflag:s31] =	ssyncadd.s32 $0xFFFFFF80  }
0x25: {  	_ =	swait.ge [sflag:s31], $0x80  }
0x26: {  	[sflag:s31] =	ssyncset.done $0x0  }
0x27: {  	[sflag:s31] =	ssyncadd.s32 $0xFFFFFF80  }
0x28: {  	_ =	swait.ge [sflag:s31], $0x80  }
0x29: {  	[sflag:s31] =	ssyncset.done $0x0  }
0x2a: {  	[sflag:s31] =	ssyncadd.s32 $0xFFFFFF80  }
0x2b: {  	_ =	swait.ge [sflag:s31], $0x80  }
0x2c: {  	[sflag:s31] =	ssyncset.done $0x0  }
0x2d: {  	[sflag:s31] =	ssyncadd.s32 $0xFFFFFF80  }
0x2e: {  	_ =	swait.ge [sflag:s31], $0x80  }
0x2f: {  	s2 =	sadd.s32 s5, s2;
	[sflag:s31] =	ssyncset.done $0x0  }
0x30: {  	s2 =	sadd.s32 $0x1EE00, s2;
	[sflag:s31] =	ssyncadd.s32 $0xFFFFFF80  }
0x31: {  	[hbm4b:s2+s4] =	stream.linear.scatter [tilespmem:s8], [sflag:$0x2], $0x400, $0x38;
	[tilespmem:$0x800] =	vst v63  }
0x32: {  	_ =	swait.ge [sflag:s18], $0x400  }
0x33: {  	[sflag:s18] =	ssyncset.done $0x0  }
0x34: {  	[sflag:s18] =	ssyncadd.s32 $0xFFFFFC00  }
0x35: {  	_ =	sfence.sel $0x180000  }
0x36: {  	[bflag:$0x0] =	sbarrier.arrive $0xFFFF  }
0x37: {  	p0 =	sne.s32 s1, $0x0;
	_ =	strace $0x90000047  }
0x38: {  	s0 =	sadd.s32 @!p0 $0x100000, s0;
	[bflag:$0x2] =	sbarrier.arrive $0xFFFF  }
0x39: {  	[sflag:s0] =	ssyncadd.tile.s32 @!p0 $0x1;
	_ =	shalt  }
.Lfunc_end2:
_tile_overlayer_lowered:
.L_overlay_start_2:
0x3a: {  	(tag) =	ssettag $0x2  }
0x3b: {  	s0 =	rddreg [dreg:$0x0];
	s2 =	stileid.u32  }
0x3c: {  	s1 =	rddreg [dreg:$0x1];
	p0 =	sne.s32 s2, $0x0  }
0x3d: {  	s3 =	rddreg [dreg:$0x2];
	[bflag:$0x3] =	sbarrier.arrive $0xFFFF;
	s2 =	simm.s32 @!p0 $0x1C02  }
0x3e: {  	[timem:s3], [sflag:s2] =	dma.local @!p0 [hbm:s0], s1  }
0x3f: {  	s0 =	simm.s32 @!p0 $0x2  }
0x40: {  	_ =	swait.ge @!p0 [sflag:s0], s1  }
0x41: {  	s1 =	ssub.s32 @!p0 $0x0, s1;
	[sflag:s0] =	ssyncset.done @!p0 $0x0  }
0x42: {  	[sflag:s0] =	ssyncadd.s32 @!p0 s1  }
0x43: {  	[bflag:$0x3] =	sbarrier.arrive $0xFFFF  }
0x44: {  	_ =	shalt  }

</sc_bundles>
